<compile_context>
chip_gen: v7x
topology: tpu7x:2x2x1
jax: 0.10.2.dev20260603
libtpu: 0.0.44.dev20260713+nightly
codegen_flags: <defaults>
</compile_context>

<pallas_src>
import functools

import jax
import jax.numpy as jnp
from jax import lax
from jax.experimental import pallas as pl
from jax.experimental.pallas import tpu as pltpu
from jax.experimental.pallas import tpu_sc as plsc

_NC, _NS, _L = 2, 16, 16
_NW = _NC * _NS
_RC = 16
_SEG = 32
_NBUF = 5
_AHEAD = 3

_TC_BS = 512


def _sc_body(b_lo, n_b, seq, dim, x_hbm, pos_hbm, out_hbm, pos_buf, *rest):
    bufs = rest[:_NBUF]
    sin = rest[_NBUF:2 * _NBUF]
    sout = rest[2 * _NBUF:3 * _NBUF]
    sp = rest[3 * _NBUF]
    seq_per_w = seq // _NW
    n_segs = seq_per_w // _SEG
    sub = _SEG // _RC
    n_chunks = n_segs * n_b * sub
    wid = lax.axis_index("s") * _NC + lax.axis_index("c")
    seq0 = wid * seq_per_w

    def chunk_row(k, base_b):
        seg, r = divmod(k, n_b * sub)
        b, cc = divmod(r, sub)
        return (base_b + b) * seq + seq0 + seg * _SEG + cc * _RC

    def add_chunk(k, s):
        row_base = (k % sub) * _RC
        buf = bufs[s]

        @plsc.parallel_loop(0, _RC)
        def body(r):
            @plsc.parallel_loop(0, dim, step=_L, unroll=4)
            def cols(c):
                p = pos_buf[row_base + r, pl.ds(c, _L)]
                plsc.addupdate(buf.at[r, pl.ds(c, _L)], p)

    def start_in(k):
        s = k % _NBUF
        if out_d[s] is not None:
            out_d[s].wait()
        in_d[s] = pltpu.async_copy(
            x_hbm.at[pl.ds(chunk_row(k, b_lo), _RC)], bufs[s], sin[s])

    pos_d = pltpu.async_copy(pos_hbm.at[pl.ds(seq0, _SEG)], pos_buf, sp)
    in_d = [None] * _NBUF
    out_d = [None] * _NBUF
    for k in range(min(_AHEAD, n_chunks)):
        start_in(k)
    per_seg = n_b * sub
    for k in range(n_chunks):
        if k + _AHEAD < n_chunks:
            start_in(k + _AHEAD)
        s = k % _NBUF
        if k % per_seg == 0:
            pos_d.wait()
        in_d[s].wait()
        add_chunk(k, s)
        out_d[s] = pltpu.async_copy(
            bufs[s], out_hbm.at[pl.ds(chunk_row(k, 0), _RC)], sout[s])
        if k % per_seg == per_seg - 1 and k + 1 < n_chunks:
            pos_d = pltpu.async_copy(
                pos_hbm.at[pl.ds(seq0 + (k // per_seg + 1) * _SEG, _SEG)],
                pos_buf, sp)
    for s in range(_NBUF):
        if out_d[s] is not None:
            out_d[s].wait()


def _sc_add(x, pos_table, b_lo, n_b, seq, dim):
    call = pl.kernel(
        functools.partial(_sc_body, b_lo, n_b, seq, dim),
        out_type=jax.ShapeDtypeStruct((n_b * seq, dim), x.dtype),
        mesh=plsc.VectorSubcoreMesh(core_axis_name="c", subcore_axis_name="s"),
        scratch_types=(
            [pltpu.VMEM((_SEG, dim), jnp.float32)]
            + [pltpu.VMEM((_RC, dim), jnp.float32)] * _NBUF
            + [pltpu.SemaphoreType.DMA] * (2 * _NBUF + 1)
        ),
        compiler_params=pltpu.CompilerParams(use_tc_tiling_on_sc=True),
    )
    return call(x, pos_table)


def _tc_add_kernel(x_ref, p_ref, o_ref):
    o_ref[...] = x_ref[...] + p_ref[...][None, :, :]


def _tc_add(inputs, pos_table, n_b):
    batch, seq, dim = inputs.shape
    return pl.pallas_call(
        _tc_add_kernel,
        grid=(seq // _TC_BS,),
        in_specs=[
            pl.BlockSpec((n_b, _TC_BS, dim), lambda i: (0, i, 0)),
            pl.BlockSpec((_TC_BS, dim), lambda i: (i, 0)),
        ],
        out_specs=pl.BlockSpec((n_b, _TC_BS, dim), lambda i: (0, i, 0)),
        out_shape=jax.ShapeDtypeStruct((batch, seq, dim), inputs.dtype),
    )(inputs, pos_table)


def _tc_place_kernel(full_hbm_ref, sc_ref, o_ref):
    del full_hbm_ref
    o_ref[...] = sc_ref[...]


def _tc_place(full, sc_part, b_lo):
    batch, seq, dim = full.shape
    n_b = batch - b_lo
    return pl.pallas_call(
        _tc_place_kernel,
        grid=(seq // _TC_BS,),
        in_specs=[
            pl.BlockSpec(memory_space=pl.ANY),
            pl.BlockSpec((n_b, _TC_BS, dim), lambda i: (0, i, 0)),
        ],
        out_specs=pl.BlockSpec((n_b, _TC_BS, dim), lambda i: (b_lo // n_b, i, 0)),
        out_shape=jax.ShapeDtypeStruct((batch, seq, dim), full.dtype),
        input_output_aliases={0: 0},
    )(full, sc_part.reshape(n_b, seq, dim))


def kernel(inputs, pos_table):
    batch, seq, dim = inputs.shape
    n_tc = batch - 1
    x = inputs.reshape(batch * seq, dim)
    sc_part = _sc_add(x, pos_table, n_tc, batch - n_tc, seq, dim)
    tc_full = _tc_add(inputs, pos_table, n_tc)
    return _tc_place(tc_full, sc_part, n_tc)

# --- scband reference (transcript-rebuilt; emitter-appended) ---
"""Pipeline reference for scband-learnable-positional-encoding-37237366456645 (READ-ONLY COPY).

The authoritative reference and input builder live on the scoring server;
editing this copy changes nothing except your own understanding.
"""

import jax, jax.numpy as jnp
import numpy as np

SEQ_LENGTH = 2048
EMBED_DIM = 1024

def setup_inputs(seed: int = 0) -> dict:
    key = jax.random.key(seed)
    k1, k2 = jax.random.split(key)
    inputs = jax.random.normal(k1, (4, SEQ_LENGTH, EMBED_DIM), dtype=jnp.float32)
    # Keras Embedding default initializer is uniform(-0.05, 0.05)
    pos_table = jax.random.uniform(k2, (SEQ_LENGTH, EMBED_DIM), dtype=jnp.float32, minval=-0.05, maxval=0.05)
    return {"inputs": inputs, "pos_table": pos_table}

def reference(inputs, pos_table):
    batch_size = inputs.shape[0]
    seq_length = inputs.shape[1]
    position_indices = jnp.arange(seq_length)
    # embedding lookup: gather rows of the positional table
    position_embeddings = jnp.take(pos_table, position_indices, axis=0)
    position_embeddings = jnp.expand_dims(position_embeddings, axis=0)
    position_embeddings = jnp.tile(position_embeddings, (batch_size, 1, 1))
    return inputs + position_embeddings

if __name__ == "__main__":
    import jax
    _d = setup_inputs()
    print(jax.jit(kernel)(*tuple(_d.values())))

</pallas_src>

<mosaic_0001>
#map = affine_map<(d0, d1) -> (0, 0)>
module attributes {stable_mosaic.version = 14 : i64} {
  func.func @_sc_body(%arg0: i32, %arg1: i32, %arg2: memref<8192x1024xf32, #tpu.memory_space<hbm>>, %arg3: memref<2048x1024xf32, #tpu.memory_space<hbm>>, %arg4: memref<2048x1024xf32, #tpu.memory_space<hbm>>, %arg5: memref<32x1024xf32, #tpu.memory_space<vmem>>, %arg6: memref<16x1024xf32, #tpu.memory_space<vmem>>, %arg7: memref<16x1024xf32, #tpu.memory_space<vmem>>, %arg8: memref<16x1024xf32, #tpu.memory_space<vmem>>, %arg9: memref<16x1024xf32, #tpu.memory_space<vmem>>, %arg10: memref<16x1024xf32, #tpu.memory_space<vmem>>, %arg11: memref<!tpu.dma_semaphore, #tpu.memory_space<semaphore_mem>>, %arg12: memref<!tpu.dma_semaphore, #tpu.memory_space<semaphore_mem>>, %arg13: memref<!tpu.dma_semaphore, #tpu.memory_space<semaphore_mem>>, %arg14: memref<!tpu.dma_semaphore, #tpu.memory_space<semaphore_mem>>, %arg15: memref<!tpu.dma_semaphore, #tpu.memory_space<semaphore_mem>>, %arg16: memref<!tpu.dma_semaphore, #tpu.memory_space<semaphore_mem>>, %arg17: memref<!tpu.dma_semaphore, #tpu.memory_space<semaphore_mem>>, %arg18: memref<!tpu.dma_semaphore, #tpu.memory_space<semaphore_mem>>, %arg19: memref<!tpu.dma_semaphore, #tpu.memory_space<semaphore_mem>>, %arg20: memref<!tpu.dma_semaphore, #tpu.memory_space<semaphore_mem>>, %arg21: memref<!tpu.dma_semaphore, #tpu.memory_space<semaphore_mem>>) attributes {dimension_semantics = [#tpu.dimension_semantics<core_parallel>, #tpu.dimension_semantics<subcore_parallel>], iteration_bounds = array<i64: 2, 16>, scalar_prefetch = 0 : i64, scratch_operands = 17 : i64, tpu.core_type = #tpu.core_type<sc_vector_subcore>, window_params = [{transform_indices = #map}, {transform_indices = #map}, {transform_indices = #map}]} {
    %mul3A = arith.constant 2 : i32
    %mul3A_0 = arith.muli %arg1, %mul3A : i32
    %add3A = arith.addi %mul3A_0, %arg0 : i32
    %mul3A_1 = arith.constant 64 : i32
    %mul3A_2 = arith.muli %add3A, %mul3A_1 : i32
    %dma_start3A = arith.constant 0 : i32
    %dma_start3A_3 = tpu.memref_slice %arg3[%mul3A_2, %dma_start3A] : memref<2048x1024xf32, #tpu.memory_space<hbm>> -> memref<32x1024xf32, #tpu.memory_space<hbm>>
    %dma_start3A_4 = arith.constant 0 : i32
    %dma_start3A_5 = tpu.memref_slice %arg3[%mul3A_2, %dma_start3A_4] : memref<2048x1024xf32, #tpu.memory_space<hbm>> -> memref<32x1024xf32, #tpu.memory_space<hbm>>
    tpu.enqueue_dma source(%dma_start3A_5 : memref<32x1024xf32, #tpu.memory_space<hbm>>) target(%arg5 : memref<32x1024xf32, #tpu.memory_space<vmem>>) target_semaphore(%arg21 : memref<!tpu.dma_semaphore, #tpu.memory_space<semaphore_mem>>)
    %add3A_6 = arith.constant 6144 : i32
    %add3A_7 = arith.addi %add3A_6, %mul3A_2 : i32
    %add3A_8 = arith.constant 0 : i32
    %add3A_9 = arith.addi %add3A_7, %add3A_8 : i32
    %add3A_10 = arith.constant 0 : i32
    %add3A_11 = arith.addi %add3A_9, %add3A_10 : i32
    %dma_start3A_12 = arith.constant 0 : i32
    %dma_start3A_13 = tpu.memref_slice %arg2[%add3A_11, %dma_start3A_12] : memref<8192x1024xf32, #tpu.memory_space<hbm>> -> memref<16x1024xf32, #tpu.memory_space<hbm>>
    %dma_start3A_14 = arith.constant 0 : i32
    %dma_start3A_15 = tpu.memref_slice %arg2[%add3A_11, %dma_start3A_14] : memref<8192x1024xf32, #tpu.memory_space<hbm>> -> memref<16x1024xf32, #tpu.memory_space<hbm>>
    tpu.enqueue_dma source(%dma_start3A_15 : memref<16x1024xf32, #tpu.memory_space<hbm>>) target(%arg6 : memref<16x1024xf32, #tpu.memory_space<vmem>>) target_semaphore(%arg11 : memref<!tpu.dma_semaphore, #tpu.memory_space<semaphore_mem>>)
    %add3A_16 = arith.constant 6144 : i32
    %add3A_17 = arith.addi %add3A_16, %mul3A_2 : i32
    %add3A_18 = arith.constant 0 : i32
    %add3A_19 = arith.addi %add3A_17, %add3A_18 : i32
    %add3A_20 = arith.constant 16 : i32
    %add3A_21 = arith.addi %add3A_19, %add3A_20 : i32
    %dma_start3A_22 = arith.constant 0 : i32
    %dma_start3A_23 = tpu.memref_slice %arg2[%add3A_21, %dma_start3A_22] : memref<8192x1024xf32, #tpu.memory_space<hbm>> -> memref<16x1024xf32, #tpu.memory_space<hbm>>
    %dma_start3A_24 = arith.constant 0 : i32
    %dma_start3A_25 = tpu.memref_slice %arg2[%add3A_21, %dma_start3A_24] : memref<8192x1024xf32, #tpu.memory_space<hbm>> -> memref<16x1024xf32, #tpu.memory_space<hbm>>
    tpu.enqueue_dma source(%dma_start3A_25 : memref<16x1024xf32, #tpu.memory_space<hbm>>) target(%arg7 : memref<16x1024xf32, #tpu.memory_space<vmem>>) target_semaphore(%arg12 : memref<!tpu.dma_semaphore, #tpu.memory_space<semaphore_mem>>)
    %add3A_26 = arith.constant 6144 : i32
    %add3A_27 = arith.addi %add3A_26, %mul3A_2 : i32
    %add3A_28 = arith.constant 32 : i32
    %add3A_29 = arith.addi %add3A_27, %add3A_28 : i32
    %add3A_30 = arith.constant 0 : i32
    %add3A_31 = arith.addi %add3A_29, %add3A_30 : i32
    %dma_start3A_32 = arith.constant 0 : i32
    %dma_start3A_33 = tpu.memref_slice %arg2[%add3A_31, %dma_start3A_32] : memref<8192x1024xf32, #tpu.memory_space<hbm>> -> memref<16x1024xf32, #tpu.memory_space<hbm>>
    %dma_start3A_34 = arith.constant 0 : i32
    %dma_start3A_35 = tpu.memref_slice %arg2[%add3A_31, %dma_start3A_34] : memref<8192x1024xf32, #tpu.memory_space<hbm>> -> memref<16x1024xf32, #tpu.memory_space<hbm>>
    tpu.enqueue_dma source(%dma_start3A_35 : memref<16x1024xf32, #tpu.memory_space<hbm>>) target(%arg8 : memref<16x1024xf32, #tpu.memory_space<vmem>>) target_semaphore(%arg13 : memref<!tpu.dma_semaphore, #tpu.memory_space<semaphore_mem>>)
    %add3A_36 = arith.constant 6144 : i32
    %add3A_37 = arith.addi %add3A_36, %mul3A_2 : i32
    %add3A_38 = arith.constant 32 : i32
    %add3A_39 = arith.addi %add3A_37, %add3A_38 : i32
    %add3A_40 = arith.constant 16 : i32
    %add3A_41 = arith.addi %add3A_39, %add3A_40 : i32
    %dma_start3A_42 = arith.constant 0 : i32
    %dma_start3A_43 = tpu.memref_slice %arg2[%add3A_41, %dma_start3A_42] : memref<8192x1024xf32, #tpu.memory_space<hbm>> -> memref<16x1024xf32, #tpu.memory_space<hbm>>
    %dma_start3A_44 = arith.constant 0 : i32
    %dma_start3A_45 = tpu.memref_slice %arg2[%add3A_41, %dma_start3A_44] : memref<8192x1024xf32, #tpu.memory_space<hbm>> -> memref<16x1024xf32, #tpu.memory_space<hbm>>
    tpu.enqueue_dma source(%dma_start3A_45 : memref<16x1024xf32, #tpu.memory_space<hbm>>) target(%arg9 : memref<16x1024xf32, #tpu.memory_space<vmem>>) target_semaphore(%arg14 : memref<!tpu.dma_semaphore, #tpu.memory_space<semaphore_mem>>)
    %dma_wait3A = arith.constant 0 : i32
    %dma_wait3A_46 = tpu.memref_slice %arg3[%mul3A_2, %dma_wait3A] : memref<2048x1024xf32, #tpu.memory_space<hbm>> -> memref<32x1024xf32, #tpu.memory_space<hbm>>
    %dma_wait3A_47 = arith.constant 0 : i32
    %dma_wait3A_48 = tpu.memref_slice %arg3[%mul3A_2, %dma_wait3A_47] : memref<2048x1024xf32, #tpu.memory_space<hbm>> -> memref<32x1024xf32, #tpu.memory_space<hbm>>
    tpu.wait_dma2 semaphore(%arg21 : memref<!tpu.dma_semaphore, #tpu.memory_space<semaphore_mem>>) src(%dma_wait3A_48 : memref<32x1024xf32, #tpu.memory_space<hbm>>) dst(%arg5 : memref<32x1024xf32, #tpu.memory_space<vmem>>)
    %dma_wait3A_49 = arith.constant 0 : i32
    %dma_wait3A_50 = tpu.memref_slice %arg2[%add3A_11, %dma_wait3A_49] : memref<8192x1024xf32, #tpu.memory_space<hbm>> -> memref<16x1024xf32, #tpu.memory_space<hbm>>
    %dma_wait3A_51 = arith.constant 0 : i32
    %dma_wait3A_52 = tpu.memref_slice %arg2[%add3A_11, %dma_wait3A_51] : memref<8192x1024xf32, #tpu.memory_space<hbm>> -> memref<16x1024xf32, #tpu.memory_space<hbm>>
    tpu.wait_dma2 semaphore(%arg11 : memref<!tpu.dma_semaphore, #tpu.memory_space<semaphore_mem>>) src(%dma_wait3A_52 : memref<16x1024xf32, #tpu.memory_space<hbm>>) dst(%arg6 : memref<16x1024xf32, #tpu.memory_space<vmem>>)
    %parallel_loop3A = arith.constant 0 : i32
    %parallel_loop3A_53 = arith.constant 16 : i32
    %parallel_loop3A_54 = arith.constant 1 : i32
    scf.for %parallel_loop3A_142 = %parallel_loop3A to %parallel_loop3A_53 step %parallel_loop3A_54  : i32 {
      %parallel_loop3A_143 = arith.constant 0 : i32
      %parallel_loop3A_144 = arith.constant 1024 : i32
      %parallel_loop3A_145 = arith.constant 16 : i32
      scf.for %parallel_loop3A_146 = %parallel_loop3A_143 to %parallel_loop3A_144 step %parallel_loop3A_145  : i32 {
        %parallel_loop3A_147 = arith.constant 0 : i32
        %parallel_loop3A_148 = arith.addi %parallel_loop3A_147, %parallel_loop3A_142 : i32
        %parallel_loop3A_149 = arith.index_cast %parallel_loop3A_148 : i32 to index
        %parallel_loop3A_150 = arith.index_cast %parallel_loop3A_146 : i32 to index
        %parallel_loop3A_151 = tpu.vector_load %arg5[%parallel_loop3A_149, %parallel_loop3A_150] {strides = array<i32>} : memref<32x1024xf32, #tpu.memory_space<vmem>>, vector<1x16xf32>,
        %parallel_loop3A_152 = vector.shape_cast %parallel_loop3A_151 : vector<1x16xf32> to vector<16xf32>
        %parallel_loop3A_153 = arith.index_cast %parallel_loop3A_142 : i32 to index
        %parallel_loop3A_154 = arith.index_cast %parallel_loop3A_146 : i32 to index
        %parallel_loop3A_155 = tpu.vector_load %arg6[%parallel_loop3A_153, %parallel_loop3A_154] {strides = array<i32>} : memref<16x1024xf32, #tpu.memory_space<vmem>>, vector<1x16xf32>,
        %parallel_loop3A_156 = vector.shape_cast %parallel_loop3A_155 : vector<1x16xf32> to vector<16xf32>
        %parallel_loop3A_157 = vector.shape_cast %parallel_loop3A_152 : vector<16xf32> to vector<1x16xf32>
        tpu.vector_store %arg6[%parallel_loop3A_153, %parallel_loop3A_154], %parallel_loop3A_157 {add = true, strides = array<i32>} : memref<16x1024xf32, #tpu.memory_space<vmem>>, vector<1x16xf32>,
      } {sc.loop_unroll_factor = 4 : i64, sc.parallel_access}
    } {sc.loop_unroll_factor = 1 : i64, sc.parallel_access}
    %add3A_55 = arith.constant 0 : i32
    %add3A_56 = arith.addi %add3A_55, %mul3A_2 : i32
    %add3A_57 = arith.constant 0 : i32
    %add3A_58 = arith.addi %add3A_56, %add3A_57 : i32
    %add3A_59 = arith.constant 0 : i32
    %add3A_60 = arith.addi %add3A_58, %add3A_59 : i32
    %dma_start3A_61 = arith.constant 0 : i32
    %dma_start3A_62 = tpu.memref_slice %arg4[%add3A_60, %dma_start3A_61] : memref<2048x1024xf32, #tpu.memory_space<hbm>> -> memref<16x1024xf32, #tpu.memory_space<hbm>>
    %dma_start3A_63 = arith.constant 0 : i32
    %dma_start3A_64 = tpu.memref_slice %arg4[%add3A_60, %dma_start3A_63] : memref<2048x1024xf32, #tpu.memory_space<hbm>> -> memref<16x1024xf32, #tpu.memory_space<hbm>>
    tpu.enqueue_dma source(%arg6 : memref<16x1024xf32, #tpu.memory_space<vmem>>) target(%dma_start3A_64 : memref<16x1024xf32, #tpu.memory_space<hbm>>) target_semaphore(%arg16 : memref<!tpu.dma_semaphore, #tpu.memory_space<semaphore_mem>>)
    %dma_wait3A_65 = arith.constant 0 : i32
    %dma_wait3A_66 = tpu.memref_slice %arg2[%add3A_21, %dma_wait3A_65] : memref<8192x1024xf32, #tpu.memory_space<hbm>> -> memref<16x1024xf32, #tpu.memory_space<hbm>>
    %dma_wait3A_67 = arith.constant 0 : i32
    %dma_wait3A_68 = tpu.memref_slice %arg2[%add3A_21, %dma_wait3A_67] : memref<8192x1024xf32, #tpu.memory_space<hbm>> -> memref<16x1024xf32, #tpu.memory_space<hbm>>
    tpu.wait_dma2 semaphore(%arg12 : memref<!tpu.dma_semaphore, #tpu.memory_space<semaphore_mem>>) src(%dma_wait3A_68 : memref<16x1024xf32, #tpu.memory_space<hbm>>) dst(%arg7 : memref<16x1024xf32, #tpu.memory_space<vmem>>)
    %parallel_loop3A_69 = arith.constant 0 : i32
    %parallel_loop3A_70 = arith.constant 16 : i32
    %parallel_loop3A_71 = arith.constant 1 : i32
    scf.for %parallel_loop3A_142 = %parallel_loop3A_69 to %parallel_loop3A_70 step %parallel_loop3A_71  : i32 {
      %parallel_loop3A_143 = arith.constant 0 : i32
      %parallel_loop3A_144 = arith.constant 1024 : i32
      %parallel_loop3A_145 = arith.constant 16 : i32
      scf.for %parallel_loop3A_146 = %parallel_loop3A_143 to %parallel_loop3A_144 step %parallel_loop3A_145  : i32 {
        %parallel_loop3A_147 = arith.constant 16 : i32
        %parallel_loop3A_148 = arith.addi %parallel_loop3A_147, %parallel_loop3A_142 : i32
        %parallel_loop3A_149 = arith.index_cast %parallel_loop3A_148 : i32 to index
        %parallel_loop3A_150 = arith.index_cast %parallel_loop3A_146 : i32 to index
        %parallel_loop3A_151 = tpu.vector_load %arg5[%parallel_loop3A_149, %parallel_loop3A_150] {strides = array<i32>} : memref<32x1024xf32, #tpu.memory_space<vmem>>, vector<1x16xf32>,
        %parallel_loop3A_152 = vector.shape_cast %parallel_loop3A_151 : vector<1x16xf32> to vector<16xf32>
        %parallel_loop3A_153 = arith.index_cast %parallel_loop3A_142 : i32 to index
        %parallel_loop3A_154 = arith.index_cast %parallel_loop3A_146 : i32 to index
        %parallel_loop3A_155 = tpu.vector_load %arg7[%parallel_loop3A_153, %parallel_loop3A_154] {strides = array<i32>} : memref<16x1024xf32, #tpu.memory_space<vmem>>, vector<1x16xf32>,
        %parallel_loop3A_156 = vector.shape_cast %parallel_loop3A_155 : vector<1x16xf32> to vector<16xf32>
        %parallel_loop3A_157 = vector.shape_cast %parallel_loop3A_152 : vector<16xf32> to vector<1x16xf32>
        tpu.vector_store %arg7[%parallel_loop3A_153, %parallel_loop3A_154], %parallel_loop3A_157 {add = true, strides = array<i32>} : memref<16x1024xf32, #tpu.memory_space<vmem>>, vector<1x16xf32>,
      } {sc.loop_unroll_factor = 4 : i64, sc.parallel_access}
    } {sc.loop_unroll_factor = 1 : i64, sc.parallel_access}
    %add3A_72 = arith.constant 0 : i32
    %add3A_73 = arith.addi %add3A_72, %mul3A_2 : i32
    %add3A_74 = arith.constant 0 : i32
    %add3A_75 = arith.addi %add3A_73, %add3A_74 : i32
    %add3A_76 = arith.constant 16 : i32
    %add3A_77 = arith.addi %add3A_75, %add3A_76 : i32
    %dma_start3A_78 = arith.constant 0 : i32
    %dma_start3A_79 = tpu.memref_slice %arg4[%add3A_77, %dma_start3A_78] : memref<2048x1024xf32, #tpu.memory_space<hbm>> -> memref<16x1024xf32, #tpu.memory_space<hbm>>
    %dma_start3A_80 = arith.constant 0 : i32
    %dma_start3A_81 = tpu.memref_slice %arg4[%add3A_77, %dma_start3A_80] : memref<2048x1024xf32, #tpu.memory_space<hbm>> -> memref<16x1024xf32, #tpu.memory_space<hbm>>
    tpu.enqueue_dma source(%arg7 : memref<16x1024xf32, #tpu.memory_space<vmem>>) target(%dma_start3A_81 : memref<16x1024xf32, #tpu.memory_space<hbm>>) target_semaphore(%arg17 : memref<!tpu.dma_semaphore, #tpu.memory_space<semaphore_mem>>)
    %add3A_82 = arith.constant 32 : i32
    %add3A_83 = arith.addi %mul3A_2, %add3A_82 : i32
    %dma_start3A_84 = arith.constant 0 : i32
    %dma_start3A_85 = tpu.memref_slice %arg3[%add3A_83, %dma_start3A_84] : memref<2048x1024xf32, #tpu.memory_space<hbm>> -> memref<32x1024xf32, #tpu.memory_space<hbm>>
    %dma_start3A_86 = arith.constant 0 : i32
    %dma_start3A_87 = tpu.memref_slice %arg3[%add3A_83, %dma_start3A_86] : memref<2048x1024xf32, #tpu.memory_space<hbm>> -> memref<32x1024xf32, #tpu.memory_space<hbm>>
    tpu.enqueue_dma source(%dma_start3A_87 : memref<32x1024xf32, #tpu.memory_space<hbm>>) target(%arg5 : memref<32x1024xf32, #tpu.memory_space<vmem>>) target_semaphore(%arg21 : memref<!tpu.dma_semaphore, #tpu.memory_space<semaphore_mem>>)
    %dma_wait3A_88 = arith.constant 0 : i32
    %dma_wait3A_89 = tpu.memref_slice %arg3[%add3A_83, %dma_wait3A_88] : memref<2048x1024xf32, #tpu.memory_space<hbm>> -> memref<32x1024xf32, #tpu.memory_space<hbm>>
    %dma_wait3A_90 = arith.constant 0 : i32
    %dma_wait3A_91 = tpu.memref_slice %arg3[%add3A_83, %dma_wait3A_90] : memref<2048x1024xf32, #tpu.memory_space<hbm>> -> memref<32x1024xf32, #tpu.memory_space<hbm>>
    tpu.wait_dma2 semaphore(%arg21 : memref<!tpu.dma_semaphore, #tpu.memory_space<semaphore_mem>>) src(%dma_wait3A_91 : memref<32x1024xf32, #tpu.memory_space<hbm>>) dst(%arg5 : memref<32x1024xf32, #tpu.memory_space<vmem>>)
    %dma_wait3A_92 = arith.constant 0 : i32
    %dma_wait3A_93 = tpu.memref_slice %arg2[%add3A_31, %dma_wait3A_92] : memref<8192x1024xf32, #tpu.memory_space<hbm>> -> memref<16x1024xf32, #tpu.memory_space<hbm>>
    %dma_wait3A_94 = arith.constant 0 : i32
    %dma_wait3A_95 = tpu.memref_slice %arg2[%add3A_31, %dma_wait3A_94] : memref<8192x1024xf32, #tpu.memory_space<hbm>> -> memref<16x1024xf32, #tpu.memory_space<hbm>>
    tpu.wait_dma2 semaphore(%arg13 : memref<!tpu.dma_semaphore, #tpu.memory_space<semaphore_mem>>) src(%dma_wait3A_95 : memref<16x1024xf32, #tpu.memory_space<hbm>>) dst(%arg8 : memref<16x1024xf32, #tpu.memory_space<vmem>>)
    %parallel_loop3A_96 = arith.constant 0 : i32
    %parallel_loop3A_97 = arith.constant 16 : i32
    %parallel_loop3A_98 = arith.constant 1 : i32
    scf.for %parallel_loop3A_142 = %parallel_loop3A_96 to %parallel_loop3A_97 step %parallel_loop3A_98  : i32 {
      %parallel_loop3A_143 = arith.constant 0 : i32
      %parallel_loop3A_144 = arith.constant 1024 : i32
      %parallel_loop3A_145 = arith.constant 16 : i32
      scf.for %parallel_loop3A_146 = %parallel_loop3A_143 to %parallel_loop3A_144 step %parallel_loop3A_145  : i32 {
        %parallel_loop3A_147 = arith.constant 0 : i32
        %parallel_loop3A_148 = arith.addi %parallel_loop3A_147, %parallel_loop3A_142 : i32
        %parallel_loop3A_149 = arith.index_cast %parallel_loop3A_148 : i32 to index
        %parallel_loop3A_150 = arith.index_cast %parallel_loop3A_146 : i32 to index
        %parallel_loop3A_151 = tpu.vector_load %arg5[%parallel_loop3A_149, %parallel_loop3A_150] {strides = array<i32>} : memref<32x1024xf32, #tpu.memory_space<vmem>>, vector<1x16xf32>,
        %parallel_loop3A_152 = vector.shape_cast %parallel_loop3A_151 : vector<1x16xf32> to vector<16xf32>
        %parallel_loop3A_153 = arith.index_cast %parallel_loop3A_142 : i32 to index
        %parallel_loop3A_154 = arith.index_cast %parallel_loop3A_146 : i32 to index
        %parallel_loop3A_155 = tpu.vector_load %arg8[%parallel_loop3A_153, %parallel_loop3A_154] {strides = array<i32>} : memref<16x1024xf32, #tpu.memory_space<vmem>>, vector<1x16xf32>,
        %parallel_loop3A_156 = vector.shape_cast %parallel_loop3A_155 : vector<1x16xf32> to vector<16xf32>
        %parallel_loop3A_157 = vector.shape_cast %parallel_loop3A_152 : vector<16xf32> to vector<1x16xf32>
        tpu.vector_store %arg8[%parallel_loop3A_153, %parallel_loop3A_154], %parallel_loop3A_157 {add = true, strides = array<i32>} : memref<16x1024xf32, #tpu.memory_space<vmem>>, vector<1x16xf32>,
      } {sc.loop_unroll_factor = 4 : i64, sc.parallel_access}
    } {sc.loop_unroll_factor = 1 : i64, sc.parallel_access}
    %add3A_99 = arith.constant 0 : i32
    %add3A_100 = arith.addi %add3A_99, %mul3A_2 : i32
    %add3A_101 = arith.constant 32 : i32
    %add3A_102 = arith.addi %add3A_100, %add3A_101 : i32
    %add3A_103 = arith.constant 0 : i32
    %add3A_104 = arith.addi %add3A_102, %add3A_103 : i32
    %dma_start3A_105 = arith.constant 0 : i32
    %dma_start3A_106 = tpu.memref_slice %arg4[%add3A_104, %dma_start3A_105] : memref<2048x1024xf32, #tpu.memory_space<hbm>> -> memref<16x1024xf32, #tpu.memory_space<hbm>>
    %dma_start3A_107 = arith.constant 0 : i32
    %dma_start3A_108 = tpu.memref_slice %arg4[%add3A_104, %dma_start3A_107] : memref<2048x1024xf32, #tpu.memory_space<hbm>> -> memref<16x1024xf32, #tpu.memory_space<hbm>>
    tpu.enqueue_dma source(%arg8 : memref<16x1024xf32, #tpu.memory_space<vmem>>) target(%dma_start3A_108 : memref<16x1024xf32, #tpu.memory_space<hbm>>) target_semaphore(%arg18 : memref<!tpu.dma_semaphore, #tpu.memory_space<semaphore_mem>>)
    %dma_wait3A_109 = arith.constant 0 : i32
    %dma_wait3A_110 = tpu.memref_slice %arg2[%add3A_41, %dma_wait3A_109] : memref<8192x1024xf32, #tpu.memory_space<hbm>> -> memref<16x1024xf32, #tpu.memory_space<hbm>>
    %dma_wait3A_111 = arith.constant 0 : i32
    %dma_wait3A_112 = tpu.memref_slice %arg2[%add3A_41, %dma_wait3A_111] : memref<8192x1024xf32, #tpu.memory_space<hbm>> -> memref<16x1024xf32, #tpu.memory_space<hbm>>
    tpu.wait_dma2 semaphore(%arg14 : memref<!tpu.dma_semaphore, #tpu.memory_space<semaphore_mem>>) src(%dma_wait3A_112 : memref<16x1024xf32, #tpu.memory_space<hbm>>) dst(%arg9 : memref<16x1024xf32, #tpu.memory_space<vmem>>)
    %parallel_loop3A_113 = arith.constant 0 : i32
    %parallel_loop3A_114 = arith.constant 16 : i32
    %parallel_loop3A_115 = arith.constant 1 : i32
    scf.for %parallel_loop3A_142 = %parallel_loop3A_113 to %parallel_loop3A_114 step %parallel_loop3A_115  : i32 {
      %parallel_loop3A_143 = arith.constant 0 : i32
      %parallel_loop3A_144 = arith.constant 1024 : i32
      %parallel_loop3A_145 = arith.constant 16 : i32
      scf.for %parallel_loop3A_146 = %parallel_loop3A_143 to %parallel_loop3A_144 step %parallel_loop3A_145  : i32 {
        %parallel_loop3A_147 = arith.constant 16 : i32
        %parallel_loop3A_148 = arith.addi %parallel_loop3A_147, %parallel_loop3A_142 : i32
        %parallel_loop3A_149 = arith.index_cast %parallel_loop3A_148 : i32 to index
        %parallel_loop3A_150 = arith.index_cast %parallel_loop3A_146 : i32 to index
        %parallel_loop3A_151 = tpu.vector_load %arg5[%parallel_loop3A_149, %parallel_loop3A_150] {strides = array<i32>} : memref<32x1024xf32, #tpu.memory_space<vmem>>, vector<1x16xf32>,
        %parallel_loop3A_152 = vector.shape_cast %parallel_loop3A_151 : vector<1x16xf32> to vector<16xf32>
        %parallel_loop3A_153 = arith.index_cast %parallel_loop3A_142 : i32 to index
        %parallel_loop3A_154 = arith.index_cast %parallel_loop3A_146 : i32 to index
        %parallel_loop3A_155 = tpu.vector_load %arg9[%parallel_loop3A_153, %parallel_loop3A_154] {strides = array<i32>} : memref<16x1024xf32, #tpu.memory_space<vmem>>, vector<1x16xf32>,
        %parallel_loop3A_156 = vector.shape_cast %parallel_loop3A_155 : vector<1x16xf32> to vector<16xf32>
        %parallel_loop3A_157 = vector.shape_cast %parallel_loop3A_152 : vector<16xf32> to vector<1x16xf32>
        tpu.vector_store %arg9[%parallel_loop3A_153, %parallel_loop3A_154], %parallel_loop3A_157 {add = true, strides = array<i32>} : memref<16x1024xf32, #tpu.memory_space<vmem>>, vector<1x16xf32>,
      } {sc.loop_unroll_factor = 4 : i64, sc.parallel_access}
    } {sc.loop_unroll_factor = 1 : i64, sc.parallel_access}
    %add3A_116 = arith.constant 0 : i32
    %add3A_117 = arith.addi %add3A_116, %mul3A_2 : i32
    %add3A_118 = arith.constant 32 : i32
    %add3A_119 = arith.addi %add3A_117, %add3A_118 : i32
    %add3A_120 = arith.constant 16 : i32
    %add3A_121 = arith.addi %add3A_119, %add3A_120 : i32
    %dma_start3A_122 = arith.constant 0 : i32
    %dma_start3A_123 = tpu.memref_slice %arg4[%add3A_121, %dma_start3A_122] : memref<2048x1024xf32, #tpu.memory_space<hbm>> -> memref<16x1024xf32, #tpu.memory_space<hbm>>
    %dma_start3A_124 = arith.constant 0 : i32
    %dma_start3A_125 = tpu.memref_slice %arg4[%add3A_121, %dma_start3A_124] : memref<2048x1024xf32, #tpu.memory_space<hbm>> -> memref<16x1024xf32, #tpu.memory_space<hbm>>
    tpu.enqueue_dma source(%arg9 : memref<16x1024xf32, #tpu.memory_space<vmem>>) target(%dma_start3A_125 : memref<16x1024xf32, #tpu.memory_space<hbm>>) target_semaphore(%arg19 : memref<!tpu.dma_semaphore, #tpu.memory_space<semaphore_mem>>)
    %dma_wait3A_126 = arith.constant 0 : i32
    %dma_wait3A_127 = tpu.memref_slice %arg4[%add3A_60, %dma_wait3A_126] : memref<2048x1024xf32, #tpu.memory_space<hbm>> -> memref<16x1024xf32, #tpu.memory_space<hbm>>
    %dma_wait3A_128 = arith.constant 0 : i32
    %dma_wait3A_129 = tpu.memref_slice %arg4[%add3A_60, %dma_wait3A_128] : memref<2048x1024xf32, #tpu.memory_space<hbm>> -> memref<16x1024xf32, #tpu.memory_space<hbm>>
    tpu.wait_dma2 semaphore(%arg16 : memref<!tpu.dma_semaphore, #tpu.memory_space<semaphore_mem>>) src(%arg6 : memref<16x1024xf32, #tpu.memory_space<vmem>>) dst(%dma_wait3A_129 : memref<16x1024xf32, #tpu.memory_space<hbm>>)
    %dma_wait3A_130 = arith.constant 0 : i32
    %dma_wait3A_131 = tpu.memref_slice %arg4[%add3A_77, %dma_wait3A_130] : memref<2048x1024xf32, #tpu.memory_space<hbm>> -> memref<16x1024xf32, #tpu.memory_space<hbm>>
    %dma_wait3A_132 = arith.constant 0 : i32
    %dma_wait3A_133 = tpu.memref_slice %arg4[%add3A_77, %dma_wait3A_132] : memref<2048x1024xf32, #tpu.memory_space<hbm>> -> memref<16x1024xf32, #tpu.memory_space<hbm>>
    tpu.wait_dma2 semaphore(%arg17 : memref<!tpu.dma_semaphore, #tpu.memory_space<semaphore_mem>>) src(%arg7 : memref<16x1024xf32, #tpu.memory_space<vmem>>) dst(%dma_wait3A_133 : memref<16x1024xf32, #tpu.memory_space<hbm>>)
    %dma_wait3A_134 = arith.constant 0 : i32
    %dma_wait3A_135 = tpu.memref_slice %arg4[%add3A_104, %dma_wait3A_134] : memref<2048x1024xf32, #tpu.memory_space<hbm>> -> memref<16x1024xf32, #tpu.memory_space<hbm>>
    %dma_wait3A_136 = arith.constant 0 : i32
    %dma_wait3A_137 = tpu.memref_slice %arg4[%add3A_104, %dma_wait3A_136] : memref<2048x1024xf32, #tpu.memory_space<hbm>> -> memref<16x1024xf32, #tpu.memory_space<hbm>>
    tpu.wait_dma2 semaphore(%arg18 : memref<!tpu.dma_semaphore, #tpu.memory_space<semaphore_mem>>) src(%arg8 : memref<16x1024xf32, #tpu.memory_space<vmem>>) dst(%dma_wait3A_137 : memref<16x1024xf32, #tpu.memory_space<hbm>>)
    %dma_wait3A_138 = arith.constant 0 : i32
    %dma_wait3A_139 = tpu.memref_slice %arg4[%add3A_121, %dma_wait3A_138] : memref<2048x1024xf32, #tpu.memory_space<hbm>> -> memref<16x1024xf32, #tpu.memory_space<hbm>>
    %dma_wait3A_140 = arith.constant 0 : i32
    %dma_wait3A_141 = tpu.memref_slice %arg4[%add3A_121, %dma_wait3A_140] : memref<2048x1024xf32, #tpu.memory_space<hbm>> -> memref<16x1024xf32, #tpu.memory_space<hbm>>
    tpu.wait_dma2 semaphore(%arg19 : memref<!tpu.dma_semaphore, #tpu.memory_space<semaphore_mem>>) src(%arg9 : memref<16x1024xf32, #tpu.memory_space<vmem>>) dst(%dma_wait3A_141 : memref<16x1024xf32, #tpu.memory_space<hbm>>)
    return
  }
}

module attributes {stable_mosaic.version = 14 : i64} {
  func.func @_tc_add_kernel(%arg0: i32, %arg1: memref<3x512x1024xf32, #tpu.memory_space<vmem>>, %arg2: memref<512x1024xf32, #tpu.memory_space<vmem>>, %arg3: memref<3x512x1024xf32, #tpu.memory_space<vmem>>) attributes {dimension_semantics = [#tpu.dimension_semantics<arbitrary>], iteration_bounds = array<i64: 4>, scalar_prefetch = 0 : i64, scratch_operands = 0 : i64, tpu.core_type = #tpu.core_type<tc>, window_params = [{transform_indices = @transform_0, window_bounds = array<i64: 3, 512, 1024>}, {transform_indices = @transform_1, window_bounds = array<i64: 512, 1024>}, {transform_indices = @transform_2, window_bounds = array<i64: 3, 512, 1024>}]} {
    %get3A = arith.constant 0 : index
    %get3A_0 = arith.constant 0 : index
    %get3A_1 = arith.constant 0 : index
    %get3A_2 = vector.load %arg1[%get3A, %get3A_0, %get3A_1] : memref<3x512x1024xf32, #tpu.memory_space<vmem>>, vector<3x512x1024xf32>
    %get3A_3 = arith.constant 0 : index
    %get3A_4 = arith.constant 0 : index
    %get3A_5 = vector.load %arg2[%get3A_3, %get3A_4] : memref<512x1024xf32, #tpu.memory_space<vmem>>, vector<512x1024xf32>
    %broadcast_in_dim3A = vector.shape_cast %get3A_5 : vector<512x1024xf32> to vector<1x512x1024xf32>
    %add3A = vector.broadcast %broadcast_in_dim3A : vector<1x512x1024xf32> to vector<3x512x1024xf32>
    %add3A_6 = arith.addf %get3A_2, %add3A : vector<3x512x1024xf32>
    %swap3A = arith.constant 0 : index
    %swap3A_7 = arith.constant 0 : index
    %swap3A_8 = arith.constant 0 : index
    %swap3A_9 = vector.load %arg3[%swap3A, %swap3A_7, %swap3A_8] : memref<3x512x1024xf32, #tpu.memory_space<vmem>>, vector<3x512x1024xf32>
    tpu.vector_store %arg3[%swap3A, %swap3A_7, %swap3A_8], %add3A_6 {strides = array<i32>} : memref<3x512x1024xf32, #tpu.memory_space<vmem>>, vector<3x512x1024xf32>,
    return
  }
  func.func @transform_0(%arg0: i32) -> (i32, i32, i32) {
    %c0_i32 = arith.constant 0 : i32
    %c0_i32_0 = arith.constant 0 : i32
    %c0_i32_1 = arith.constant 0 : i32
    return %c0_i32, %arg0, %c0_i32_0 : i32, i32, i32
  }
  func.func @transform_1(%arg0: i32) -> (i32, i32) {
    %c0_i32 = arith.constant 0 : i32
    %c0_i32_0 = arith.constant 0 : i32
    return %arg0, %c0_i32 : i32, i32
  }
  func.func @transform_2(%arg0: i32) -> (i32, i32, i32) {
    %c0_i32 = arith.constant 0 : i32
    %c0_i32_0 = arith.constant 0 : i32
    %c0_i32_1 = arith.constant 0 : i32
    return %c0_i32, %arg0, %c0_i32_0 : i32, i32, i32
  }
}

module attributes {stable_mosaic.version = 14 : i64} {
  func.func @_tc_place_kernel(%arg0: i32, %arg1: memref<4x2048x1024xf32, #tpu.memory_space<any>>, %arg2: memref<1x512x1024xf32, #tpu.memory_space<vmem>>, %arg3: memref<1x512x1024xf32, #tpu.memory_space<vmem>>) attributes {dimension_semantics = [#tpu.dimension_semantics<arbitrary>], iteration_bounds = array<i64: 4>, scalar_prefetch = 0 : i64, scratch_operands = 0 : i64, tpu.core_type = #tpu.core_type<tc>, window_params = [{}, {transform_indices = @transform_1, window_bounds = array<i64: 1, 512, 1024>}, {transform_indices = @transform_2, window_bounds = array<i64: 1, 512, 1024>}]} {
    %get3A = arith.constant 0 : index
    %get3A_0 = arith.constant 0 : index
    %get3A_1 = arith.constant 0 : index
    %get3A_2 = vector.load %arg2[%get3A, %get3A_0, %get3A_1] : memref<1x512x1024xf32, #tpu.memory_space<vmem>>, vector<1x512x1024xf32>
    %swap3A = arith.constant 0 : index
    %swap3A_3 = arith.constant 0 : index
    %swap3A_4 = arith.constant 0 : index
    %swap3A_5 = vector.load %arg3[%swap3A, %swap3A_3, %swap3A_4] : memref<1x512x1024xf32, #tpu.memory_space<vmem>>, vector<1x512x1024xf32>
    tpu.vector_store %arg3[%swap3A, %swap3A_3, %swap3A_4], %get3A_2 {strides = array<i32>} : memref<1x512x1024xf32, #tpu.memory_space<vmem>>, vector<1x512x1024xf32>,
    return
  }
  func.func @transform_1(%arg0: i32) -> (i32, i32, i32) {
    %c0_i32 = arith.constant 0 : i32
    %c0_i32_0 = arith.constant 0 : i32
    %c0_i32_1 = arith.constant 0 : i32
    return %c0_i32, %arg0, %c0_i32_0 : i32, i32, i32
  }
  func.func @transform_2(%arg0: i32) -> (i32, i32, i32) {
    %c3_i32 = arith.constant 3 : i32
    %c0_i32 = arith.constant 0 : i32
    %c0_i32_0 = arith.constant 0 : i32
    return %c3_i32, %arg0, %c0_i32 : i32, i32, i32
  }
}

</mosaic_0001>

<sc_bundles>
// kernel: kernel.5.cloned.1.call-start
scs
__scs_entry_jumppad:
0x0: {  	(pc) =	sbr.rel $0x88, $3  }
0x1: {  	(tag) =	ssettag $0x0;
	lr =	simm.s32 $0x1  }
0x2: {  	[smem:$0x3F9F] =	sst lr;
	_ =	strace $0xD0000000  }
0x3: {  	_ = 	snop  }
0x4: {  	_ = 	snop  }
0x5: {  	_ = 	snop  }
0x6: {  	_ = 	snop  }
0x7: {  	_ = 	snop  }
__scs_overlays_trampoline_lowered:
0x8: {  	[smem:$0x3FAE] =	sst s0  }
0x9: {  	[smem:$0x3FAF] =	sst s1  }
0xa: {  	[smem:$0x3FB0] =	sst s2  }
0xb: {  	[smem:$0x3FB1] =	sst s3  }
0xc: {  	[smem:$0x3FB2] =	sst s4  }
0xd: {  	[smem:$0x3FB3] =	sst s5  }
0xe: {  	[smem:$0x3FB4] =	sst s6  }
0xf: {  	[smem:$0x3FB5] =	sst s7  }
0x10: {  	[smem:$0x3FB6] =	sst s8  }
0x11: {  	[smem:$0x3FB7] =	sst s9;
	s0 =	simm.s32 @!p0 $0x0  }
0x12: {  	s1 =	sld [smem:$0x3F9D];
	s0 =	simm.s32 @p0 $0x1  }
0x13: {  	[smem:$0x3FB8] =	sst s0;
	s0 =	simm.s32 @!p1 $0x0  }
0x14: {  	s2 =	sld [smem:$0x3F9C];
	s0 =	simm.s32 @p1 $0x1  }
0x15: {  	[smem:$0x3FB9] =	sst s0;
	s0 =	simm.s32 @!p2 $0x0  }
0x16: {  	s3 =	sld [smem:$0x3FDB];
	s0 =	simm.s32 @p2 $0x1  }
0x17: {  	s4 =	simm.s32 $0x1BF5;
	[smem:$0x3FBB] =	sst s0  }
0x18: {  	s0 =	sld [smem:$0x3F9E];
	_ =	swait.ge [sflag:s4], $0x0  }
0x19: {  	s7 =	sld [smem:$0x3F9F]  }
0x1a: {  	s8 =	sadd.s32 $0xFFFFE003, lr  }
0x1b: {  	s9 =	sadd.s32 $0xFFFFFEF7, lr;
	s5 =	simm.s32 $0xFFFFFFFF;
	p2 =	slt.u32 s8, $0xFFFFF086  }
0x1c: {  	p1 =	slt.u32 s9, $0xF7A;
	s5 =	simm.s32 @!p2 $0x0  }
0x1d: {  	s5 =	simm.s32 @p1 $0x1;
	p0 =	seq.s32 s7, s2  }
0x1e: {  	s7 =	smul.u32 @!p0 $0xF7A, s2;
	p2 =	seq.s32 @!p0 s5, $0x0  }
0x1f: {  	s9 =	smul.u32 $0xF7A, s1;
	s8 =	simm.s32 @!p0 $0x1BF5;
	p2 =	por !p2, p0  }
0x20: {  	[sflag:s8] =	ssyncset.s32 @!p0 $0xFFFFF086;
	s6 =	sadd.s32 @!p0 s3, s7;
	s7 =	simm.s32 @!p0 $0x108  }
0x21: {  	s3 =	sadd.s32 s3, s9;
	s6 =	sadd.s32 @!p0 $0x88, s6;
	s7 =	simm.s32 @p2 $0x1082  }
0x22: {  	[simem:s7], [sflag:s8] =	dma.local @!p0 [hbm:s6], $0xF7A  }
0x23: {  	s9 =	sor.u32 $0xD0000000, s2;
	s6 =	simm.s32 $0x108;
	_ =	swait.ge @!p0 [sflag:s8], $0x0  }
0x24: {  	s3 =	sadd.s32 $0x88, s3;
	s6 =	simm.s32 @!p1 $0x1082;
	[sflag:s4] =	ssyncset.s32 $0xFFFFF086  }
0x25: {  	[simem:s6], [sflag:s4] =	dma.local [hbm:s3], $0xF7A  }
0x26: {  	[smem:$0x3F9F] =	sst s1;
	(tag) =	ssettag s2;
	_ =	strace s9  }
0x27: {  	s1 =	sld [smem:$0x3FAF]  }
0x28: {  	s2 =	sld [smem:$0x3FB0]  }
0x29: {  	s4 =	sld [smem:$0x3FB2]  }
0x2a: {  	p0 =	seq.s32 s5, $0x0;
	s5 =	sld [smem:$0x3FB3]  }
0x2b: {  	s6 =	sld [smem:$0x3FB4]  }
0x2c: {  	s7 =	sld [smem:$0x3FB5]  }
0x2d: {  	s3 =	simm.s32 $0x108;
	s8 =	sld [smem:$0x3FB6]  }
0x2e: {  	s3 =	simm.s32 @!p0 $0x1082;
	s9 =	sld [smem:$0x3FB7]  }
0x2f: {  	lr =	sadd.s32 s0, s3;
	s0 =	sld [smem:$0x3FAE]  }
0x30: {  	s3 =	sld [smem:$0x3FB1]  }
0x31: {  	[smem:$0x3FBA] =	sst s10  }
0x32: {  	s10 =	sld [smem:$0x3FB8];
	_ =	sdelay $0x3  }
0x33: {  	p0 =	seq.s32 s10, $0x1;
	s10 =	sld [smem:$0x3FBA];
	_ =	sdelay $0x3  }
0x34: {  	[smem:$0x3FBA] =	sst s10  }
0x35: {  	s10 =	sld [smem:$0x3FB9];
	_ =	sdelay $0x3  }
0x36: {  	p1 =	seq.s32 s10, $0x1;
	s10 =	sld [smem:$0x3FBA];
	_ =	sdelay $0x3  }
0x37: {  	[smem:$0x3FBA] =	sst s10  }
0x38: {  	s10 =	sld [smem:$0x3FBB]  }
0x39: {  	_ = 	snop;
	(pc) =	sbr.ind lr, $3  }
0x3a: {  	_ = 	snop  }
0x3b: {  	_ = 	snop  }
0x3c: {  	p2 =	seq.s32 s10, $0x1;
	s10 =	sld [smem:$0x3FBA]  }
0x3d: {  	_ =	shalt  }
0x3e: {  	_ =	shalt  }
0x3f: {  	_ =	shalt  }
0x40: {  	_ =	shalt  }
0x41: {  	_ =	shalt  }
0x42: {  	_ =	shalt  }
0x43: {  	_ =	shalt  }
0x44: {  	_ =	shalt  }
0x45: {  	_ =	shalt  }
0x46: {  	_ =	shalt  }
0x47: {  	_ =	shalt  }
0x48: {  	_ =	shalt  }
0x49: {  	_ =	shalt  }
0x4a: {  	_ =	shalt  }
0x4b: {  	_ =	shalt  }
0x4c: {  	_ =	shalt  }
0x4d: {  	_ =	shalt  }
0x4e: {  	_ =	shalt  }
0x4f: {  	_ =	shalt  }
0x50: {  	_ =	shalt  }
0x51: {  	_ =	shalt  }
0x52: {  	_ =	shalt  }
0x53: {  	_ =	shalt  }
0x54: {  	_ =	shalt  }
0x55: {  	_ =	shalt  }
0x56: {  	_ =	shalt  }
0x57: {  	_ =	shalt  }
0x58: {  	_ =	shalt  }
0x59: {  	_ =	shalt  }
0x5a: {  	_ =	shalt  }
0x5b: {  	_ =	shalt  }
0x5c: {  	_ =	shalt  }
0x5d: {  	_ =	shalt  }
0x5e: {  	_ =	shalt  }
0x5f: {  	_ =	shalt  }
0x60: {  	_ =	shalt  }
0x61: {  	_ =	shalt  }
0x62: {  	_ =	shalt  }
0x63: {  	_ =	shalt  }
0x64: {  	_ =	shalt  }
0x65: {  	_ =	shalt  }
0x66: {  	_ =	shalt  }
0x67: {  	_ =	shalt  }
0x68: {  	_ =	shalt  }
0x69: {  	_ =	shalt  }
0x6a: {  	_ =	shalt  }
0x6b: {  	_ =	shalt  }
0x6c: {  	_ =	shalt  }
0x6d: {  	_ =	shalt  }
0x6e: {  	_ =	shalt  }
0x6f: {  	_ =	shalt  }
0x70: {  	_ =	shalt  }
0x71: {  	_ =	shalt  }
0x72: {  	_ =	shalt  }
0x73: {  	_ =	shalt  }
0x74: {  	_ =	shalt  }
0x75: {  	_ =	shalt  }
0x76: {  	_ =	shalt  }
0x77: {  	_ =	shalt  }
0x78: {  	_ =	shalt  }
0x79: {  	_ =	shalt  }
0x7a: {  	_ =	shalt  }
0x7b: {  	_ =	shalt  }
0x7c: {  	_ =	shalt  }
0x7d: {  	_ =	shalt  }
0x7e: {  	_ =	shalt  }
0x7f: {  	_ =	shalt  }
0x80: {  	_ =	shalt  }
0x81: {  	_ =	shalt  }
0x82: {  	_ =	shalt  }
0x83: {  	_ =	shalt  }
0x84: {  	_ =	shalt  }
0x85: {  	_ =	shalt  }
0x86: {  	_ =	shalt  }
0x87: {  	_ =	shalt  }
.Lfunc_end0:
.L_simem_size_0:
called_computation_lowered:
.L_overlay_start_0:
0x88: {  	s2 =	sld [smem:$0x3FD9]  }
0x89: {  	s3 =	sld [smem:$0x3FFE];
	_ =	sdelay $0x1  }
0x8a: {  	s1 =	srdreg.scid  }
0x8b: {  	s0 =	sand.u32 $0x1, s1  }
0x8c: {  	s17 =	sshll.u32 s0, $0xA;
	s2 =	sadd.s32 s3, s2  }
0x8d: {  	s2 =	sadd.s32 s2, s17  }
0x8e: {  	[smem:$0x3FC6] =	sst s2  }
0x8f: {  	_ = 	snop  }
0x90: {  	s2 =	sld [smem:$0x3FC9]  }
0x91: {  	s18 =	sld [smem:$0x3FC8];
	(tm) =	ssettm $0x1  }
0x92: {  	s4 =	sld [smem:$0x3FFB];
	_ =	sdelay $0x3  }
0x93: {  	_ =	strace s4  }
0x94: {  	s4 =	sld [smem:$0x3FFC];
	_ =	sdelay $0x3  }
0x95: {  	_ =	strace s4  }
0x96: {  	s4 =	sld [smem:$0x3FFD];
	_ =	sdelay $0x3  }
0x97: {  	_ =	strace s4  }
0x98: {  	_ =	strace $0x8FFFFFFF  }
0x99: {  	s19 =	sld [smem:$0x3FDB];
	_ =	sdelay $0x1  }
0x9a: {  	s5 =	simm.s32 $_scs_section_size  }
0x9b: {  	s6 =	simm.s32 $_size__tile_overlayer_lowered;
	s7 =	simm.s32 $_tile_overlayer_lowered  }
0x9c: {  	s22 =	simm.s32 $0x1BFF;
	s21 =	sshll.u32 s7, $0x1;
	s4 =	sadd.s32 s5, s19  }
0x9d: {  	s8 =	simm.s32 $0x0;
	s20 =	sshll.u32 s6, $0x1;
	s6 =	sadd.s32 s21, s4  }
0x9e: {  	[timem:s8], [sflag:s22] =	dma.local [hbm:s6], s20  }
0x9f: {  	_ =	swait.ge [sflag:s22], s20  }
0xa0: {  	s5 =	ssub.s32 $0x0, s20;
	[sflag:s22] =	ssyncset.done $0x0  }
0xa1: {  	[sflag:s22] =	ssyncadd.s32 s5;
	_ =	sdelay $0x1  }
0xa2: {  	s23 =	simm.s32 $0x1B8B  }
0xa3: {  	_ =	swait.ge [sflag:s23], $0x1  }
0xa4: {  	[sflag:s23] =	ssyncset.done $0x0  }
0xa5: {  	s25 =	simm.s32 $0x1B8E;
	s24 =	sld [smem:$0x3FFE];
	[sflag:s23] =	ssyncadd.s32 $0xFFFFFFFF  }
0xa6: {  	s26 =	simm.s32 $execute0_lowered;
	[smem:$0x3FD2] =	sst s25  }
0xa7: {  	s6 =	sshll.u32 s26, $0x1;
	_ =	strace $0x80000046;
	[dreg:$0x1] =	wrdreg $0xFFFFFFFF  }
0xa8: {  	s28 =	simm.s32 $_size_execute0_lowered;
	s4 =	sadd.s32 s4, s6;
	[dreg:$0x0] =	wrdreg $0x0  }
0xa9: {  	s6 =	sshll.u32 s28, $0x1;
	[dreg:$0x2] =	wrdreg s4  }
0xaa: {  	[dreg:$0x3] =	wrdreg s6  }
0xab: {  	[dreg:$0x4] =	wrdreg $0xC0  }
0xac: {  	_ =	task [dreg:s8], $0x5FFFF  }
0xad: {  	[dreg:$0x1] =	wrdreg $0xFFFFFFFF  }
0xae: {  	[dreg:$0x0] =	wrdreg $0x60  }
0xaf: {  	[dreg:$0x2] =	wrdreg s2  }
0xb0: {  	[dreg:$0x3] =	wrdreg s18  }
0xb1: {  	[dreg:$0x4] =	wrdreg s24  }
0xb2: {  	[dreg:$0x5] =	wrdreg $0x9  }
0xb3: {  	_ =	task.clear_ibuf [dreg:s8], $0x6FFFF;
	_ =	strace $0x90000046  }
0xb4: {  	s29 =	simm.s32 $0x9;
	_ =	strace $0x80000048  }
0xb5: {  	_ =	swait.ge [sflag:s29], $0x1  }
0xb6: {  	[sflag:s29] =	ssyncadd.s32 $0xFFFFFFFF  }
0xb7: {  	_ =	strace $0x90000048  }
0xb8: {  	_ =	sfence  }
0xb9: {  	s30 =	sld [smem:$0x0];
	_ =	sdelay $0x2  }
0xba: {  	s31 =	sshll.u32 s1, $0xD;
	s1 =	sshrl.u32 s1, $0x2  }
0xbb: {  	s3 =	sand.u32 $0x4000, s31;
	s1 =	sadd.s32 s1, s30  }
0xbc: {  	s0 =	sor.u32 s3, s0;
	s1 =	sshll.u32 s1, $0x11  }
0xbd: {  	s0 =	sor.u32 s1, s0  }
0xbe: {  	s0 =	sadd.s32 $0x8F2B, s0  }
0xbf: {  	[sflag:s0] =	ssyncadd.remote.s32 $0x1  }
0xc0: {  	_ =	sfence.sel $0xFFFF  }
0xc1: {  	[dreg:$0x0] =	wrdreg $0xFFFFFFFF;
	(pc) =	sbr.abs _section_cstart, $3  }
0xc2: {  	[dreg:$0x1] =	wrdreg $0xFFFFFFFF  }
0xc3: {  	_ =	task.clear_ibuf [dreg:s8], $0x2FFFF;
	_ =	strace $0x9FFFFFFF  }
0xc4: {  	(tm) =	ssettm $0x7FFFFFFF  }
0xc5: {  	_ =	shalt  }
tec
execute0_lowered:
.L_overlay_start_1:
0x0: {  	(tag) =	ssettag $0x1  }
0x1: {  	s0 =	rddreg [dreg:$0x0]  }
0x2: {  	s1 =	rddreg [dreg:$0x1]  }
0x3: {  	s3 =	rddreg [dreg:$0x2];
	s4 =	srdreg.scid  }
0x4: {  	s2 =	simm.s32 $0x0;
	s5 =	stileid.u32;
	s9 =	simm.s32 $0x8000  }
0x5: {  	s18 =	simm.s32 $0x9;
	s19 =	simm.s32 $0x1;
	s20 =	simm.s32 $0x2  }
0x6: {  	s21 =	simm.s32 $0x3;
	s22 =	simm.s32 $0x4;
	s28 =	simm.s32 $0x0  }
0x7: {  	s4 =	sand.u32 $0x1, s4;
	[smem:$0x7FF] =	sst s2;
	s5 =	sshll.u32 s5, $0xE  }
0x8: {  	s3 =	sadd.s32 $0x800, s3;
	s6 =	sshll.u32 s4, $0xD;
	s4 =	ssub.s32 $0x2, s4  }
0x9: {  	_ =	strace $0x80000047;
	s5 =	sor.u32 s6, s5;
	s23 =	sshrl.u32 s4, $0x1  }
0xa: {  	s0 =	sadd.s32 s5, s0;
	s4 =	ssub.s32 s4, s23;
	s24 =	sadd.s32 s1, s5  }
0xb: {  	s7 =	sadd.s32 s3, s5;
	[dreg:$0x4] =	wrdreg s24;
	s25 =	sadd.s32 $0xC0000, s0  }
0xc: {  	s31 =	sor.u32 $0x1000, s5;
	s26 =	sadd.s32 $0xC0800, s0;
	[dreg:$0x5] =	wrdreg s25  }
0xd: {  	s23 =	simm.s32 $0x5;
	s29 =	sadd.s32 $0xC1000, s0;
	[dreg:$0x6] =	wrdreg s26  }
0xe: {  	s0 =	sadd.s32 $0xC1800, s0;
	s30 =	sadd.s32 $0x800, s7;
	[dreg:$0x7] =	wrdreg s29  }
0xf: {  	s1 =	sadd.s32 s1, s31;
	s12 =	sadd.s32 $0x1800, s7;
	[dreg:$0x8] =	wrdreg s0  }
0x10: {  	s13 =	smax.u32 s4, $0x1;
	s24 =	simm.s32 $0x6;
	[dreg:$0x9] =	wrdreg s30  }
0x11: {  	[dreg:$0xa] =	wrdreg s1;
	s0 =	sadd.s32 s3, s31;
	s3 =	simm.s32 $0x14000  }
0x12: {  	s25 =	simm.s32 $0x7;
	s26 =	simm.s32 $0x8;
	[dreg:$0xb] =	wrdreg s0  }
.LBB2_1:
0x13: {  	s0 =	rddreg [dreg:$0x4]  }
0x14: {  	[tilespmem:s2], [sflag:$0x9] =	stream.linear.gather [hbm4b:s0+s2], $0x8000, $0x38;
	[tilespmem:$0x18000] =	vst v63  }
0x15: {  	s15 =	rddreg [dreg:$0x5]  }
0x16: {  	[tilespmem:s9], [sflag:$0x1] =	stream.linear.gather [hbm4b:s15+s2], $0x4000, $0x38;
	[tilespmem:$0x18000] =	vst v63  }
0x17: {  	s16 =	rddreg [dreg:$0x6];
	s1 =	simm.s32 $0xC000  }
0x18: {  	[tilespmem:s1], [sflag:$0x2] =	stream.linear.gather [hbm4b:s16+s2], $0x4000, $0x38;
	[tilespmem:$0x18000] =	vst v63  }
0x19: {  	s17 =	rddreg [dreg:$0x7];
	s30 =	simm.s32 $0x10000  }
0x1a: {  	[tilespmem:s30], [sflag:$0x3] =	stream.linear.gather [hbm4b:s17+s2], $0x4000, $0x38;
	[tilespmem:$0x18000] =	vst v63  }
0x1b: {  	s31 =	rddreg [dreg:$0x8]  }
0x1c: {  	[tilespmem:s3], [sflag:$0x4] =	stream.linear.gather [hbm4b:s31+s2], $0x4000, $0x38;
	[tilespmem:$0x18000] =	vst v63  }
0x1d: {  	_ =	swait.ge [sflag:s18], $0x8000  }
0x1e: {  	[sflag:s18] =	ssyncset.done $0x0  }
0x1f: {  	[sflag:s18] =	ssyncadd.s32 $0xFFFF8000  }
0x20: {  	_ =	swait.ge [sflag:s19], $0x4000  }
0x21: {  	[sflag:s19] =	ssyncset.done $0x0  }
0x22: {  	s29 =	simm.s32 $0x0;
	[sflag:s19] =	ssyncadd.s32 $0xFFFFC000  }
.LBB2_2:
0x23: {  	s0 =	sshll.u32 s29, $0xA;
	s1 =	sshll.u32 s29, $0x7  }
0x24: {  	s3 =	simm.s32 $0x0;
	s0 =	sand.u32 $0x2000, s0;
	s1 =	sand.u32 $0x380, s1  }
0x25: {  	s11 =	simm.s32 $0x0;
	s3 =	sand.u32 $0x40, s3;
	s0 =	sor.u32 s0, s1  }
0x26: {  	s1 =	sand.u32 $0x1C00, s11;
	s3 =	sor.u32 s3, s0  }
0x27: {  	s5 =	sor.u32 s1, s3  }
0x28: {  	v1 =	vld [tilespmem:s5+$0x0]  }
0x29: {  	s1 =	sor.u32 $0x30, s5  }
0x2a: {  	s3 =	sor.u32 $0x10, s5;
	v2 =	vld [tilespmem:s1+$0x0];
	s1 =	simm.s32 $0x40  }
0x2b: {  	s14 =	sor.u32 $0x20, s5;
	v3 =	vld [tilespmem:s3+$0x0];
	s3 =	simm.s32 $0x200;
	s4 =	sand.u32 $0x40, s1  }
0x2c: {  	s15 =	sor.u32 $0x8000, s5;
	v0 =	vld [tilespmem:s14+$0x0];
	s14 =	sand.u32 $0x1C00, s3;
	s4 =	sor.u32 s4, s0  }
0x2d: {  	s4 =	sor.u32 s14, s4;
	[tilespmem:s15+$0x0] =	vst.add.f32.msk $0xffff, v1  }
0x2e: {  	s6 =	sor.u32 $0x8030, s5;
	v1 =	vld [tilespmem:s4+$0x0]  }
0x2f: {  	s8 =	sor.u32 $0x8010, s5;
	[tilespmem:s6+$0x0] =	vst.add.f32.msk $0xffff, v2  }
0x30: {  	s16 =	sor.u32 $0x30, s4;
	[tilespmem:s8+$0x0] =	vst.add.f32.msk $0xffff, v3  }
0x31: {  	s17 =	sor.u32 $0x10, s4;
	v3 =	vld [tilespmem:s16+$0x0]  }
0x32: {  	s30 =	sor.u32 $0x8020, s5;
	s14 =	sor.u32 $0x20, s4;
	v4 =	vld [tilespmem:s17+$0x0]  }
0x33: {  	s5 =	sor.u32 $0x8000, s4;
	s31 =	sor.u32 $0x8010, s4;
	s6 =	sor.u32 $0x8020, s4;
	v2 =	vld [tilespmem:s14+$0x0]  }
.LBB2_3:
0x34: {  	s1 =	sadd.s32 $0x40, s1;
	[tilespmem:s30+$0x0] =	vst.add.f32.msk $0xffff, v0;
	s30 =	smov.u32 s6  }
0x35: {  	s4 =	sor.u32 $0x8030, s4;
	s3 =	sadd.s32 $0x200, s3;
	s6 =	sand.u32 $0x40, s1;
	[tilespmem:s5+$0x0] =	vst.add.f32.msk $0xffff, v1  }
0x36: {  	s5 =	sand.u32 $0x1C00, s3;
	p0 =	slt.u32 s1, $0x3C0;
	s6 =	sor.u32 s6, s0;
	[tilespmem:s4+$0x0] =	vst.add.f32.msk $0xffff, v3  }
.Ltmp0:
0x37: {  	s4 =	sor.u32 s5, s6;
	[tilespmem:s31+$0x0] =	vst.add.f32.msk $0xffff, v4;
	(pc) =	sbr.rel @p0 .LBB2_3-.Ltmp0, $4  }
0x38: {  	v1 =	vld [tilespmem:s4+$0x0];
	s8 =	sor.u32 $0x10, s4;
	s14 =	sor.u32 $0x20, s4;
	s15 =	sor.u32 $0x30, s4;
	v0 =	vmov v2  }
0x39: {  	s5 =	sor.u32 $0x8000, s4;
	s31 =	sor.u32 $0x8010, s4;
	s6 =	sor.u32 $0x8020, s4;
	v3 =	vld [tilespmem:s15+$0x0]  }
0x3a: {  	v4 =	vld [tilespmem:s8+$0x0]  }
0x3b: {  	v2 =	vld [tilespmem:s14+$0x0]  }
0x3c: {  	s29 =	sadd.s32 $0x1, s29  }
0x3d: {  	p0 =	sne.s32 s29, $0x10  }
.Ltmp1:
0x3e: {  	[tilespmem:s30+$0x0] =	vst.add.f32.msk $0xffff, v0;
	(pc) =	sbr.rel @p0 .LBB2_2-.Ltmp1, $4  }
0x3f: {  	s0 =	sor.u32 $0x8030, s4;
	[tilespmem:s5+$0x0] =	vst.add.f32.msk $0xffff, v1  }
0x40: {  	[tilespmem:s0+$0x0] =	vst.add.f32.msk $0xffff, v3  }
0x41: {  	[tilespmem:s31+$0x0] =	vst.add.f32.msk $0xffff, v4  }
0x42: {  	[tilespmem:s6+$0x0] =	vst.add.f32.msk $0xffff, v2  }
0x43: {  	s29 =	simm.s32 $0x0  }
0x44: {  	[hbm4b:s7+s29] =	stream.linear.scatter [tilespmem:s9], [sflag:$0x5], $0x4000, $0x38;
	[tilespmem:$0x18000] =	vst v63  }
0x45: {  	_ =	swait.ge [sflag:s20], $0x4000  }
0x46: {  	[sflag:s20] =	ssyncset.done $0x0  }
0x47: {  	s30 =	simm.s32 $0x0;
	[sflag:s20] =	ssyncadd.s32 $0xFFFFC000  }
.LBB2_6:
0x48: {  	s0 =	sshll.u32 s30, $0xA;
	s1 =	sshll.u32 s30, $0x7  }
0x49: {  	s0 =	sand.u32 $0x2000, s0;
	s1 =	sand.u32 $0x380, s1  }
0x4a: {  	s15 =	simm.s32 $0x0;
	s0 =	sor.u32 s1, s0  }
0x4b: {  	s16 =	sand.u32 $0x1C00, s29;
	s4 =	sand.u32 $0x40, s15;
	s31 =	sor.u32 $0x4000, s0  }
0x4c: {  	s5 =	sor.u32 $0x10, s4;
	s3 =	sadd.s32 s16, s31  }
0x4d: {  	s8 =	sor.u32 $0x20, s4;
	s6 =	sadd.s32 s5, s3  }
0x4e: {  	s14 =	sor.u32 $0x30, s4;
	s17 =	sadd.s32 s8, s3;
	v1 =	vld [tilespmem:s6+$0x0]  }
0x4f: {  	s9 =	sadd.s32 s14, s3;
	v2 =	vld [tilespmem:s17+$0x0]  }
0x50: {  	s0 =	sor.u32 $0xC000, s0;
	v3 =	vld [tilespmem:s9+$0x0]  }
0x51: {  	s3 =	sadd.s32 s4, s3;
	s6 =	sadd.s32 s16, s0  }
0x52: {  	s1 =	simm.s32 $0x40;
	v0 =	vld [tilespmem:s3+$0x0];
	s3 =	simm.s32 $0x200;
	s5 =	sadd.s32 s5, s6  }
0x53: {  	s15 =	sand.u32 $0x40, s1;
	s8 =	sadd.s32 s8, s6;
	s9 =	sand.u32 $0x1C00, s3;
	[tilespmem:s5+$0x0] =	vst.add.f32.msk $0xffff, v1  }
0x54: {  	s16 =	sor.u32 $0x10, s15;
	s10 =	sadd.s32 s14, s6;
	s14 =	sadd.s32 s9, s31;
	[tilespmem:s8+$0x0] =	vst.add.f32.msk $0xffff, v2  }
0x55: {  	s17 =	sor.u32 $0x20, s15;
	s11 =	sadd.s32 s16, s14;
	[tilespmem:s10+$0x0] =	vst.add.f32.msk $0xffff, v3  }
0x56: {  	s10 =	sor.u32 $0x30, s15;
	v1 =	vld [tilespmem:s11+$0x0];
	s11 =	sadd.s32 s17, s14  }
0x57: {  	s9 =	sadd.s32 s9, s0;
	v2 =	vld [tilespmem:s11+$0x0];
	s8 =	sadd.s32 s10, s14  }
0x58: {  	s4 =	sadd.s32 s4, s6;
	s5 =	sadd.s32 s17, s9;
	s11 =	sadd.s32 s15, s14;
	v4 =	vld [tilespmem:s8+$0x0]  }
0x59: {  	s14 =	sadd.s32 s16, s9;
	s6 =	sadd.s32 s10, s9;
	s8 =	sadd.s32 s15, s9;
	v3 =	vld [tilespmem:s11+$0x0]  }
.LBB2_7:
0x5a: {  	s1 =	sadd.s32 $0x40, s1;
	s3 =	sadd.s32 $0x200, s3;
	[tilespmem:s4+$0x0] =	vst.add.f32.msk $0xffff, v0;
	s4 =	smov.u32 s8  }
0x5b: {  	s8 =	sand.u32 $0x40, s1;
	s9 =	sand.u32 $0x1C00, s3;
	p0 =	slt.u32 s1, $0x3C0;
	[tilespmem:s14+$0x0] =	vst.add.f32.msk $0xffff, v1  }
0x5c: {  	s10 =	sadd.s32 s9, s31;
	s11 =	sor.u32 $0x10, s8;
	s15 =	sor.u32 $0x30, s8;
	[tilespmem:s5+$0x0] =	vst.add.f32.msk $0xffff, v2  }
.Ltmp2:
0x5d: {  	s16 =	sor.u32 $0x20, s8;
	s5 =	sadd.s32 s11, s10;
	[tilespmem:s6+$0x0] =	vst.add.f32.msk $0xffff, v4;
	(pc) =	sbr.rel @p0 .LBB2_7-.Ltmp2, $4  }
0x5e: {  	s17 =	sadd.s32 s8, s10;
	s6 =	sadd.s32 s9, s0;
	v1 =	vld [tilespmem:s5+$0x0];
	s5 =	sadd.s32 s16, s10;
	v0 =	vmov v3  }
0x5f: {  	s9 =	sadd.s32 s15, s10;
	s14 =	sadd.s32 s11, s6;
	v2 =	vld [tilespmem:s5+$0x0];
	s5 =	sadd.s32 s16, s6  }
0x60: {  	s8 =	sadd.s32 s8, s6;
	s6 =	sadd.s32 s15, s6;
	v4 =	vld [tilespmem:s9+$0x0]  }
0x61: {  	v3 =	vld [tilespmem:s17+$0x0]  }
0x62: {  	s30 =	sadd.s32 $0x1, s30  }
0x63: {  	p0 =	sne.s32 s30, $0x10  }
.Ltmp3:
0x64: {  	[tilespmem:s4+$0x0] =	vst.add.f32.msk $0xffff, v0;
	(pc) =	sbr.rel @p0 .LBB2_6-.Ltmp3, $4  }
0x65: {  	[tilespmem:s14+$0x0] =	vst.add.f32.msk $0xffff, v1  }
0x66: {  	[tilespmem:s5+$0x0] =	vst.add.f32.msk $0xffff, v2  }
0x67: {  	[tilespmem:s6+$0x0] =	vst.add.f32.msk $0xffff, v4  }
0x68: {  	[tilespmem:s8+$0x0] =	vst.add.f32.msk $0xffff, v3  }
0x69: {  	s29 =	simm.s32 $0x0;
	s0 =	rddreg [dreg:$0x9];
	s1 =	simm.s32 $0xC000  }
0x6a: {  	[hbm4b:s0+s29] =	stream.linear.scatter [tilespmem:s1], [sflag:$0x6], $0x4000, $0x38;
	[tilespmem:$0x18000] =	vst v63  }
0x6b: {  	s31 =	rddreg [dreg:$0xa]  }
0x6c: {  	[tilespmem:s29], [sflag:$0x9] =	stream.linear.gather [hbm4b:s31+s29], $0x8000, $0x38;
	[tilespmem:$0x18000] =	vst v63  }
0x6d: {  	_ =	swait.ge [sflag:s18], $0x8000  }
0x6e: {  	[sflag:s18] =	ssyncset.done $0x0  }
0x6f: {  	[sflag:s18] =	ssyncadd.s32 $0xFFFF8000  }
0x70: {  	_ =	swait.ge [sflag:s21], $0x4000  }
0x71: {  	[sflag:s21] =	ssyncset.done $0x0  }
0x72: {  	s30 =	simm.s32 $0x0;
	[sflag:s21] =	ssyncadd.s32 $0xFFFFC000  }
.LBB2_10:
0x73: {  	s0 =	sshll.u32 s30, $0xA;
	s1 =	sshll.u32 s30, $0x7  }
0x74: {  	s3 =	simm.s32 $0x0;
	s0 =	sand.u32 $0x2000, s0;
	s1 =	sand.u32 $0x380, s1  }
0x75: {  	s10 =	sand.u32 $0x40, s3;
	s0 =	sor.u32 s0, s1  }
0x76: {  	s11 =	sand.u32 $0x1C00, s29;
	s1 =	sor.u32 s10, s0  }
0x77: {  	s5 =	sor.u32 s11, s1  }
0x78: {  	v1 =	vld [tilespmem:s5+$0x0]  }
0x79: {  	s1 =	sor.u32 $0x30, s5  }
0x7a: {  	s3 =	sor.u32 $0x10, s5;
	v2 =	vld [tilespmem:s1+$0x0];
	s1 =	simm.s32 $0x40  }
0x7b: {  	s14 =	sor.u32 $0x20, s5;
	v3 =	vld [tilespmem:s3+$0x0];
	s3 =	simm.s32 $0x200;
	s4 =	sand.u32 $0x40, s1  }
0x7c: {  	s15 =	sor.u32 $0x10000, s5;
	v0 =	vld [tilespmem:s14+$0x0];
	s9 =	sand.u32 $0x1C00, s3;
	s4 =	sor.u32 s4, s0  }
0x7d: {  	s4 =	sor.u32 s9, s4;
	[tilespmem:s15+$0x0] =	vst.add.f32.msk $0xffff, v1  }
0x7e: {  	s6 =	sor.u32 $0x10030, s5;
	v1 =	vld [tilespmem:s4+$0x0]  }
0x7f: {  	s8 =	sor.u32 $0x10010, s5;
	[tilespmem:s6+$0x0] =	vst.add.f32.msk $0xffff, v2  }
0x80: {  	s16 =	sor.u32 $0x30, s4;
	[tilespmem:s8+$0x0] =	vst.add.f32.msk $0xffff, v3  }
0x81: {  	s17 =	sor.u32 $0x10, s4;
	v3 =	vld [tilespmem:s16+$0x0]  }
0x82: {  	s31 =	sor.u32 $0x10020, s5;
	s9 =	sor.u32 $0x20, s4;
	v4 =	vld [tilespmem:s17+$0x0]  }
0x83: {  	s5 =	sor.u32 $0x10010, s4;
	s6 =	sor.u32 $0x10000, s4;
	s8 =	sor.u32 $0x10020, s4;
	v2 =	vld [tilespmem:s9+$0x0]  }
.LBB2_11:
0x84: {  	s1 =	sadd.s32 $0x40, s1;
	[tilespmem:s31+$0x0] =	vst.add.f32.msk $0xffff, v0;
	s31 =	smov.u32 s8  }
0x85: {  	s4 =	sor.u32 $0x10030, s4;
	s3 =	sadd.s32 $0x200, s3;
	s8 =	sand.u32 $0x40, s1;
	[tilespmem:s6+$0x0] =	vst.add.f32.msk $0xffff, v1  }
0x86: {  	s6 =	sand.u32 $0x1C00, s3;
	p0 =	slt.u32 s1, $0x3C0;
	s8 =	sor.u32 s8, s0;
	[tilespmem:s4+$0x0] =	vst.add.f32.msk $0xffff, v3  }
.Ltmp4:
0x87: {  	s4 =	sor.u32 s6, s8;
	[tilespmem:s5+$0x0] =	vst.add.f32.msk $0xffff, v4;
	(pc) =	sbr.rel @p0 .LBB2_11-.Ltmp4, $4  }
0x88: {  	v1 =	vld [tilespmem:s4+$0x0];
	s9 =	sor.u32 $0x10, s4;
	s10 =	sor.u32 $0x20, s4;
	s11 =	sor.u32 $0x30, s4;
	v0 =	vmov v2  }
0x89: {  	s6 =	sor.u32 $0x10000, s4;
	s5 =	sor.u32 $0x10010, s4;
	s8 =	sor.u32 $0x10020, s4;
	v3 =	vld [tilespmem:s11+$0x0]  }
0x8a: {  	v4 =	vld [tilespmem:s9+$0x0]  }
0x8b: {  	v2 =	vld [tilespmem:s10+$0x0]  }
0x8c: {  	s30 =	sadd.s32 $0x1, s30  }
0x8d: {  	p0 =	sne.s32 s30, $0x10  }
.Ltmp5:
0x8e: {  	[tilespmem:s31+$0x0] =	vst.add.f32.msk $0xffff, v0;
	(pc) =	sbr.rel @p0 .LBB2_10-.Ltmp5, $4  }
0x8f: {  	s0 =	sor.u32 $0x10030, s4;
	[tilespmem:s6+$0x0] =	vst.add.f32.msk $0xffff, v1  }
0x90: {  	[tilespmem:s0+$0x0] =	vst.add.f32.msk $0xffff, v3  }
0x91: {  	[tilespmem:s5+$0x0] =	vst.add.f32.msk $0xffff, v4  }
0x92: {  	[tilespmem:s8+$0x0] =	vst.add.f32.msk $0xffff, v2  }
0x93: {  	s29 =	simm.s32 $0x0;
	s0 =	rddreg [dreg:$0xb];
	s1 =	simm.s32 $0x10000  }
0x94: {  	[hbm4b:s0+s29] =	stream.linear.scatter [tilespmem:s1], [sflag:$0x7], $0x4000, $0x38;
	[tilespmem:$0x18000] =	vst v63  }
0x95: {  	_ =	swait.ge [sflag:s22], $0x4000  }
0x96: {  	[sflag:s22] =	ssyncset.done $0x0  }
0x97: {  	s30 =	simm.s32 $0x0;
	[sflag:s22] =	ssyncadd.s32 $0xFFFFC000  }
.LBB2_14:
0x98: {  	s0 =	sshll.u32 s30, $0xA;
	s1 =	sshll.u32 s30, $0x7  }
0x99: {  	s0 =	sand.u32 $0x2000, s0;
	s1 =	sand.u32 $0x380, s1  }
0x9a: {  	s10 =	simm.s32 $0x0;
	s0 =	sor.u32 s1, s0  }
0x9b: {  	s11 =	sand.u32 $0x1C00, s29;
	s4 =	sand.u32 $0x40, s10;
	s31 =	sor.u32 $0x4000, s0  }
0x9c: {  	s5 =	sor.u32 $0x10, s4;
	s3 =	sadd.s32 s11, s31  }
0x9d: {  	s8 =	sor.u32 $0x20, s4;
	s6 =	sadd.s32 s5, s3  }
0x9e: {  	s9 =	sor.u32 $0x30, s4;
	s14 =	sadd.s32 s8, s3;
	v1 =	vld [tilespmem:s6+$0x0]  }
0x9f: {  	s15 =	sadd.s32 s9, s3;
	v2 =	vld [tilespmem:s14+$0x0]  }
0xa0: {  	s0 =	sor.u32 $0x14000, s0;
	v3 =	vld [tilespmem:s15+$0x0]  }
0xa1: {  	s3 =	sadd.s32 s4, s3;
	s6 =	sadd.s32 s11, s0  }
0xa2: {  	s1 =	simm.s32 $0x40;
	v0 =	vld [tilespmem:s3+$0x0];
	s3 =	simm.s32 $0x200;
	s5 =	sadd.s32 s5, s6  }
0xa3: {  	s10 =	sand.u32 $0x40, s1;
	s8 =	sadd.s32 s8, s6;
	s11 =	sand.u32 $0x1C00, s3;
	[tilespmem:s5+$0x0] =	vst.add.f32.msk $0xffff, v1  }
0xa4: {  	s14 =	sor.u32 $0x10, s10;
	s16 =	sadd.s32 s9, s6;
	s9 =	sadd.s32 s11, s31;
	[tilespmem:s8+$0x0] =	vst.add.f32.msk $0xffff, v2  }
0xa5: {  	s15 =	sor.u32 $0x20, s10;
	s17 =	sadd.s32 s14, s9;
	[tilespmem:s16+$0x0] =	vst.add.f32.msk $0xffff, v3  }
0xa6: {  	s16 =	sor.u32 $0x30, s10;
	v1 =	vld [tilespmem:s17+$0x0];
	s8 =	sadd.s32 s15, s9  }
0xa7: {  	s11 =	sadd.s32 s11, s0;
	v2 =	vld [tilespmem:s8+$0x0];
	s17 =	sadd.s32 s16, s9  }
0xa8: {  	s4 =	sadd.s32 s4, s6;
	s14 =	sadd.s32 s14, s11;
	s9 =	sadd.s32 s10, s9;
	v4 =	vld [tilespmem:s17+$0x0]  }
0xa9: {  	s5 =	sadd.s32 s15, s11;
	s8 =	sadd.s32 s10, s11;
	s6 =	sadd.s32 s16, s11;
	v3 =	vld [tilespmem:s9+$0x0]  }
.LBB2_15:
0xaa: {  	s1 =	sadd.s32 $0x40, s1;
	s3 =	sadd.s32 $0x200, s3;
	[tilespmem:s4+$0x0] =	vst.add.f32.msk $0xffff, v0;
	s4 =	smov.u32 s8  }
0xab: {  	s8 =	sand.u32 $0x40, s1;
	s9 =	sand.u32 $0x1C00, s3;
	p0 =	slt.u32 s1, $0x3C0;
	[tilespmem:s14+$0x0] =	vst.add.f32.msk $0xffff, v1  }
0xac: {  	s10 =	sadd.s32 s9, s31;
	s11 =	sor.u32 $0x10, s8;
	s15 =	sor.u32 $0x30, s8;
	[tilespmem:s5+$0x0] =	vst.add.f32.msk $0xffff, v2  }
.Ltmp6:
0xad: {  	s16 =	sor.u32 $0x20, s8;
	s5 =	sadd.s32 s11, s10;
	[tilespmem:s6+$0x0] =	vst.add.f32.msk $0xffff, v4;
	(pc) =	sbr.rel @p0 .LBB2_15-.Ltmp6, $4  }
0xae: {  	s17 =	sadd.s32 s8, s10;
	s6 =	sadd.s32 s9, s0;
	v1 =	vld [tilespmem:s5+$0x0];
	s5 =	sadd.s32 s16, s10;
	v0 =	vmov v3  }
0xaf: {  	s9 =	sadd.s32 s15, s10;
	s14 =	sadd.s32 s11, s6;
	v2 =	vld [tilespmem:s5+$0x0];
	s5 =	sadd.s32 s16, s6  }
0xb0: {  	s8 =	sadd.s32 s8, s6;
	s6 =	sadd.s32 s15, s6;
	v4 =	vld [tilespmem:s9+$0x0]  }
0xb1: {  	v3 =	vld [tilespmem:s17+$0x0]  }
0xb2: {  	s30 =	sadd.s32 $0x1, s30  }
0xb3: {  	p0 =	sne.s32 s30, $0x10  }
.Ltmp7:
0xb4: {  	[tilespmem:s4+$0x0] =	vst.add.f32.msk $0xffff, v0;
	(pc) =	sbr.rel @p0 .LBB2_14-.Ltmp7, $4  }
0xb5: {  	[tilespmem:s14+$0x0] =	vst.add.f32.msk $0xffff, v1  }
0xb6: {  	[tilespmem:s5+$0x0] =	vst.add.f32.msk $0xffff, v2  }
0xb7: {  	[tilespmem:s6+$0x0] =	vst.add.f32.msk $0xffff, v4  }
0xb8: {  	[tilespmem:s8+$0x0] =	vst.add.f32.msk $0xffff, v3  }
0xb9: {  	s3 =	simm.s32 $0x14000  }
0xba: {  	[hbm4b:s12+s2] =	stream.linear.scatter [tilespmem:s3], [sflag:$0x8], $0x4000, $0x38;
	[tilespmem:$0x18000] =	vst v63  }
0xbb: {  	_ =	swait.ge [sflag:s23], $0x4000  }
0xbc: {  	[sflag:s23] =	ssyncset.done $0x0  }
0xbd: {  	[sflag:s23] =	ssyncadd.s32 $0xFFFFC000  }
0xbe: {  	_ =	swait.ge [sflag:s24], $0x4000  }
0xbf: {  	[sflag:s24] =	ssyncset.done $0x0  }
0xc0: {  	s28 =	sadd.s32 $0x1, s28;
	[sflag:s24] =	ssyncadd.s32 $0xFFFFC000  }
0xc1: {  	p0 =	sne.s32 s28, s13;
	_ =	swait.ge [sflag:s25], $0x4000  }
.Ltmp8:
0xc2: {  	[sflag:s25] =	ssyncset.done $0x0;
	(pc) =	sbr.rel @p0 .LBB2_1-.Ltmp8, $4  }
0xc3: {  	[sflag:s25] =	ssyncadd.s32 $0xFFFFC000  }
0xc4: {  	_ =	swait.ge [sflag:s26], $0x4000  }
0xc5: {  	[sflag:s26] =	ssyncset.done $0x0  }
0xc6: {  	s9 =	simm.s32 $0x8000;
	[sflag:s26] =	ssyncadd.s32 $0xFFFFC000  }
0xc7: {  	_ =	sfence.sel $0x180000  }
0xc8: {  	[bflag:$0x0] =	sbarrier.arrive $0xFFFF  }
0xc9: {  	_ =	strace $0x90000047  }
0xca: {  	s0 =	stileid.u32;
	[bflag:$0x2] =	sbarrier.arrive $0xFFFF  }
0xcb: {  	p0 =	sne.s32 s0, $0x0;
	s0 =	rddreg [dreg:$0x3]  }
0xcc: {  	s0 =	sadd.s32 @!p0 $0x100000, s0  }
0xcd: {  	[sflag:s0] =	ssyncadd.tile.s32 @!p0 $0x1;
	_ =	shalt  }
.Lfunc_end2:
_tile_overlayer_lowered:
.L_overlay_start_2:
0xce: {  	(tag) =	ssettag $0x2  }
0xcf: {  	s0 =	rddreg [dreg:$0x0];
	s2 =	stileid.u32  }
0xd0: {  	s1 =	rddreg [dreg:$0x1];
	p0 =	sne.s32 s2, $0x0  }
0xd1: {  	s3 =	rddreg [dreg:$0x2];
	[bflag:$0x3] =	sbarrier.arrive $0xFFFF;
	s2 =	simm.s32 @!p0 $0x1C0A  }
0xd2: {  	[timem:s3], [sflag:s2] =	dma.local @!p0 [hbm:s0], s1  }
0xd3: {  	s0 =	simm.s32 @!p0 $0xA  }
0xd4: {  	_ =	swait.ge @!p0 [sflag:s0], s1  }
0xd5: {  	s1 =	ssub.s32 @!p0 $0x0, s1;
	[sflag:s0] =	ssyncset.done @!p0 $0x0  }
0xd6: {  	[sflag:s0] =	ssyncadd.s32 @!p0 s1  }
0xd7: {  	[bflag:$0x3] =	sbarrier.arrive $0xFFFF  }
0xd8: {  	_ =	shalt  }

</sc_bundles>
